<compile_context>
chip_gen: v7x
topology: tpu7x:2x2x1
jax: 0.10.2.dev20260603
libtpu: 0.0.44.dev20260713+nightly
codegen_flags: <defaults>
</compile_context>

<pallas_src>
import dataclasses
import functools

import jax
import jax.numpy as jnp
from jax import lax
from jax.experimental import pallas as pl
from jax.experimental.pallas import tpu as pltpu
from jax.experimental.pallas import tpu_sc as plsc

_NC = 1
_NS = 16
_NW = _NC * _NS
_L = 16
_UNROLL = 2


def _sc_affine_gather(x, idx, stab, ctab, *, chunk):
    n = x.shape[0]
    mesh = plsc.VectorSubcoreMesh(core_axis_name="c", subcore_axis_name="s", num_cores=1)
    cp = pltpu.CompilerParams()
    if "needs_layout_passes" in pltpu.CompilerParams.__dataclass_fields__:
        cp = dataclasses.replace(cp, needs_layout_passes=False)

    @functools.partial(
        pl.kernel,
        out_type=jax.ShapeDtypeStruct((n,), jnp.float32),
        mesh=mesh,
        compiler_params=cp,
        scratch_types=[
            pltpu.VMEM((chunk,), jnp.int32),
            pltpu.VMEM((chunk,), jnp.float32),
            pltpu.VMEM((chunk,), jnp.float32),
            pltpu.VMEM(stab.shape, jnp.float32),
            pltpu.VMEM(ctab.shape, jnp.float32),
            pltpu.SemaphoreType.DMA,
            pltpu.SemaphoreType.DMA,
            pltpu.SemaphoreType.DMA,
            pltpu.SemaphoreType.DMA,
            pltpu.SemaphoreType.DMA,
            pltpu.SemaphoreType.DMA,
        ],
    )
    def body(x_hbm, idx_hbm, stab_hbm, ctab_hbm, out_hbm,
             idx_v, x_v, out_v, stab_v, ctab_v,
             sem0, sem1, sem2, sem3, semt0, semt1):
        wid = lax.axis_index("s") * _NC + lax.axis_index("c")
        base = jnp.where(wid == _NW - 1, n - chunk, wid * chunk)

        half = chunk // 2 // _L * _L

        def stage_in(off, size, sa, sb):
            ca = pltpu.async_copy(
                idx_hbm.at[pl.ds(base + off, size)],
                idx_v.at[pl.ds(off, size)], sa)
            cb = pltpu.async_copy(
                x_hbm.at[pl.ds(base + off, size)],
                x_v.at[pl.ds(off, size)], sb)
            return ca, cb

        def vec(c):
            sl = pl.ds(c, _L)
            iv = idx_v[sl]
            xv = x_v[sl]
            s = plsc.load_gather(stab_v, [iv])
            sc = plsc.load_gather(ctab_v, [iv])
            out_v[sl] = s + sc * xv

        def compute(off, size):
            main = size - size % (_L * _UNROLL)

            @pl.loop(off, off + main, step=_L * _UNROLL)
            def _(c):
                for u in range(_UNROLL):
                    vec(c + u * _L)

            @pl.loop(off + main, off + size, step=_L)
            def _(c):
                vec(c)

        h0a, h0b = stage_in(0, half, sem0, sem1)
        h1a, h1b = stage_in(half, chunk - half, sem2, sem3)
        ct = pltpu.async_copy(stab_hbm, stab_v, semt0)
        cc = pltpu.async_copy(ctab_hbm, ctab_v, semt1)
        ct.wait()
        cc.wait()
        h0a.wait()
        h0b.wait()
        compute(0, half)
        o0 = pltpu.async_copy(
            out_v.at[pl.ds(0, half)], out_hbm.at[pl.ds(base, half)], sem0)
        h1a.wait()
        h1b.wait()
        compute(half, chunk - half)
        o1 = pltpu.async_copy(
            out_v.at[pl.ds(half, chunk - half)],
            out_hbm.at[pl.ds(base + half, chunk - half)], sem1)
        o0.wait()
        o1.wait()

    return body(x, idx, stab, ctab)


def kernel(in_field, species_idx, shifts, scales):
    n = in_field.shape[0]
    x = in_field.reshape(n).astype(jnp.float32)
    idx = species_idx.astype(jnp.int32)
    stab = shifts.astype(jnp.float32)
    ctab = scales.astype(jnp.float32)

    chunk = ((n + _NW - 1) // _NW + _L - 1) // _L * _L
    assert chunk % _L == 0 and n % 8 == 0 and n >= chunk, (n, chunk)

    out = _sc_affine_gather(x, idx, stab, ctab, chunk=chunk)
    return out.reshape(n, 1)

# --- scband reference (transcript-rebuilt; emitter-appended) ---
"""Pipeline reference for scband-per-species-scale-shift-28913719836950 (READ-ONLY COPY).

The authoritative reference and input builder live on the scoring server;
editing this copy changes nothing except your own understanding.
"""

import jax, jax.numpy as jnp
import numpy as np

N = 100000
NUM_TYPES = 100

def setup_inputs(seed: int = 0) -> dict:
    key = jax.random.key(seed)
    k1, k2, k3, k4 = jax.random.split(key, 4)
    in_field = jax.random.normal(k1, (N, 1), dtype=jnp.float32)
    species_idx = jax.random.randint(k2, (N,), 0, NUM_TYPES)
    # learned per-species parameters (trainable=True in the torch module)
    shifts = 0.1 * jax.random.normal(k3, (NUM_TYPES,), dtype=jnp.float32)
    scales = jnp.ones((NUM_TYPES,), dtype=jnp.float32) + 0.1 * jax.random.normal(k4, (NUM_TYPES,), dtype=jnp.float32)
    return {"in_field": in_field, "species_idx": species_idx, "shifts": shifts, "scales": scales}

def reference(in_field, species_idx, shifts, scales):
    # data[out_field] = shifts[species_idx].view(-1,1) + scales[species_idx].view(-1,1) * in_field
    s = jnp.take(shifts, species_idx, axis=0).reshape(-1, 1)
    sc = jnp.take(scales, species_idx, axis=0).reshape(-1, 1)
    return s + sc * in_field

if __name__ == "__main__":
    import jax
    _d = setup_inputs()
    print(jax.jit(kernel)(*tuple(_d.values())))

</pallas_src>

<mosaic_0001>
#map = affine_map<(d0, d1) -> (0)>
module attributes {stable_mosaic.version = 14 : i64} {
  func.func @body(%arg0: i32, %arg1: i32, %arg2: memref<100000xf32, #tpu.memory_space<hbm>>, %arg3: memref<100000xi32, #tpu.memory_space<hbm>>, %arg4: memref<100xf32, #tpu.memory_space<hbm>>, %arg5: memref<100xf32, #tpu.memory_space<hbm>>, %arg6: memref<100000xf32, #tpu.memory_space<hbm>>, %arg7: memref<6256xi32, #tpu.memory_space<vmem>>, %arg8: memref<6256xf32, #tpu.memory_space<vmem>>, %arg9: memref<6256xf32, #tpu.memory_space<vmem>>, %arg10: memref<100xf32, #tpu.memory_space<vmem>>, %arg11: memref<100xf32, #tpu.memory_space<vmem>>, %arg12: memref<!tpu.dma_semaphore, #tpu.memory_space<semaphore_mem>>, %arg13: memref<!tpu.dma_semaphore, #tpu.memory_space<semaphore_mem>>, %arg14: memref<!tpu.dma_semaphore, #tpu.memory_space<semaphore_mem>>, %arg15: memref<!tpu.dma_semaphore, #tpu.memory_space<semaphore_mem>>, %arg16: memref<!tpu.dma_semaphore, #tpu.memory_space<semaphore_mem>>, %arg17: memref<!tpu.dma_semaphore, #tpu.memory_space<semaphore_mem>>) attributes {dimension_semantics = [#tpu.dimension_semantics<core_parallel>, #tpu.dimension_semantics<subcore_parallel>], iteration_bounds = array<i64: 1, 16>, scalar_prefetch = 0 : i64, scratch_operands = 11 : i64, tpu.core_type = #tpu.core_type<sc_vector_subcore>, window_params = [{transform_indices = #map}, {transform_indices = #map}, {transform_indices = #map}, {transform_indices = #map}, {transform_indices = #map}]} {
    %mul3A = arith.constant 1 : i32
    %mul3A_0 = arith.muli %arg1, %mul3A : i32
    %add3A = arith.addi %mul3A_0, %arg0 : i32
    %eq3A = arith.constant 15 : i32
    %eq3A_1 = arith.cmpi eq, %add3A, %eq3A : i32
    %mul3A_2 = arith.constant 6256 : i32
    %mul3A_3 = arith.muli %add3A, %mul3A_2 : i32
    %jit3A = arith.constant 93744 : i32
    %select_n3A = arith.select %eq3A_1, %jit3A, %mul3A_3 : i32
    %add3A_4 = arith.constant 0 : i32
    %add3A_5 = arith.addi %select_n3A, %add3A_4 : i32
    %dma_start3A = arith.constant 0 : i32
    %dma_start3A_6 = tpu.memref_slice %arg7[%dma_start3A] : memref<6256xi32, #tpu.memory_space<vmem>> -> memref<3120xi32, #tpu.memory_space<vmem>>
    %dma_start3A_7 = tpu.memref_slice %arg3[%add3A_5] : memref<100000xi32, #tpu.memory_space<hbm>> -> memref<3120xi32, #tpu.memory_space<hbm>>
    %dma_start3A_8 = arith.constant 0 : i32
    %dma_start3A_9 = tpu.memref_slice %arg7[%dma_start3A_8] : memref<6256xi32, #tpu.memory_space<vmem>> -> memref<3120xi32, #tpu.memory_space<vmem>>
    %dma_start3A_10 = tpu.memref_slice %arg3[%add3A_5] : memref<100000xi32, #tpu.memory_space<hbm>> -> memref<3120xi32, #tpu.memory_space<hbm>>
    tpu.enqueue_dma source(%dma_start3A_10 : memref<3120xi32, #tpu.memory_space<hbm>>) target(%dma_start3A_9 : memref<3120xi32, #tpu.memory_space<vmem>>) target_semaphore(%arg12 : memref<!tpu.dma_semaphore, #tpu.memory_space<semaphore_mem>>)
    %add3A_11 = arith.constant 0 : i32
    %add3A_12 = arith.addi %select_n3A, %add3A_11 : i32
    %dma_start3A_13 = arith.constant 0 : i32
    %dma_start3A_14 = tpu.memref_slice %arg8[%dma_start3A_13] : memref<6256xf32, #tpu.memory_space<vmem>> -> memref<3120xf32, #tpu.memory_space<vmem>>
    %dma_start3A_15 = tpu.memref_slice %arg2[%add3A_12] : memref<100000xf32, #tpu.memory_space<hbm>> -> memref<3120xf32, #tpu.memory_space<hbm>>
    %dma_start3A_16 = arith.constant 0 : i32
    %dma_start3A_17 = tpu.memref_slice %arg8[%dma_start3A_16] : memref<6256xf32, #tpu.memory_space<vmem>> -> memref<3120xf32, #tpu.memory_space<vmem>>
    %dma_start3A_18 = tpu.memref_slice %arg2[%add3A_12] : memref<100000xf32, #tpu.memory_space<hbm>> -> memref<3120xf32, #tpu.memory_space<hbm>>
    tpu.enqueue_dma source(%dma_start3A_18 : memref<3120xf32, #tpu.memory_space<hbm>>) target(%dma_start3A_17 : memref<3120xf32, #tpu.memory_space<vmem>>) target_semaphore(%arg13 : memref<!tpu.dma_semaphore, #tpu.memory_space<semaphore_mem>>)
    %add3A_19 = arith.constant 3120 : i32
    %add3A_20 = arith.addi %select_n3A, %add3A_19 : i32
    %dma_start3A_21 = arith.constant 3120 : i32
    %dma_start3A_22 = tpu.memref_slice %arg7[%dma_start3A_21] : memref<6256xi32, #tpu.memory_space<vmem>> -> memref<3136xi32, #tpu.memory_space<vmem>>
    %dma_start3A_23 = tpu.memref_slice %arg3[%add3A_20] : memref<100000xi32, #tpu.memory_space<hbm>> -> memref<3136xi32, #tpu.memory_space<hbm>>
    %dma_start3A_24 = arith.constant 3120 : i32
    %dma_start3A_25 = tpu.memref_slice %arg7[%dma_start3A_24] : memref<6256xi32, #tpu.memory_space<vmem>> -> memref<3136xi32, #tpu.memory_space<vmem>>
    %dma_start3A_26 = tpu.memref_slice %arg3[%add3A_20] : memref<100000xi32, #tpu.memory_space<hbm>> -> memref<3136xi32, #tpu.memory_space<hbm>>
    tpu.enqueue_dma source(%dma_start3A_26 : memref<3136xi32, #tpu.memory_space<hbm>>) target(%dma_start3A_25 : memref<3136xi32, #tpu.memory_space<vmem>>) target_semaphore(%arg14 : memref<!tpu.dma_semaphore, #tpu.memory_space<semaphore_mem>>)
    %add3A_27 = arith.constant 3120 : i32
    %add3A_28 = arith.addi %select_n3A, %add3A_27 : i32
    %dma_start3A_29 = arith.constant 3120 : i32
    %dma_start3A_30 = tpu.memref_slice %arg8[%dma_start3A_29] : memref<6256xf32, #tpu.memory_space<vmem>> -> memref<3136xf32, #tpu.memory_space<vmem>>
    %dma_start3A_31 = tpu.memref_slice %arg2[%add3A_28] : memref<100000xf32, #tpu.memory_space<hbm>> -> memref<3136xf32, #tpu.memory_space<hbm>>
    %dma_start3A_32 = arith.constant 3120 : i32
    %dma_start3A_33 = tpu.memref_slice %arg8[%dma_start3A_32] : memref<6256xf32, #tpu.memory_space<vmem>> -> memref<3136xf32, #tpu.memory_space<vmem>>
    %dma_start3A_34 = tpu.memref_slice %arg2[%add3A_28] : memref<100000xf32, #tpu.memory_space<hbm>> -> memref<3136xf32, #tpu.memory_space<hbm>>
    tpu.enqueue_dma source(%dma_start3A_34 : memref<3136xf32, #tpu.memory_space<hbm>>) target(%dma_start3A_33 : memref<3136xf32, #tpu.memory_space<vmem>>) target_semaphore(%arg15 : memref<!tpu.dma_semaphore, #tpu.memory_space<semaphore_mem>>)
    tpu.enqueue_dma source(%arg4 : memref<100xf32, #tpu.memory_space<hbm>>) target(%arg10 : memref<100xf32, #tpu.memory_space<vmem>>) target_semaphore(%arg16 : memref<!tpu.dma_semaphore, #tpu.memory_space<semaphore_mem>>)
    tpu.enqueue_dma source(%arg5 : memref<100xf32, #tpu.memory_space<hbm>>) target(%arg11 : memref<100xf32, #tpu.memory_space<vmem>>) target_semaphore(%arg17 : memref<!tpu.dma_semaphore, #tpu.memory_space<semaphore_mem>>)
    tpu.wait_dma2 semaphore(%arg16 : memref<!tpu.dma_semaphore, #tpu.memory_space<semaphore_mem>>) src(%arg4 : memref<100xf32, #tpu.memory_space<hbm>>) dst(%arg10 : memref<100xf32, #tpu.memory_space<vmem>>)
    tpu.wait_dma2 semaphore(%arg17 : memref<!tpu.dma_semaphore, #tpu.memory_space<semaphore_mem>>) src(%arg5 : memref<100xf32, #tpu.memory_space<hbm>>) dst(%arg11 : memref<100xf32, #tpu.memory_space<vmem>>)
    %dma_wait3A = arith.constant 0 : i32
    %dma_wait3A_35 = tpu.memref_slice %arg7[%dma_wait3A] : memref<6256xi32, #tpu.memory_space<vmem>> -> memref<3120xi32, #tpu.memory_space<vmem>>
    %dma_wait3A_36 = tpu.memref_slice %arg3[%add3A_5] : memref<100000xi32, #tpu.memory_space<hbm>> -> memref<3120xi32, #tpu.memory_space<hbm>>
    %dma_wait3A_37 = arith.constant 0 : i32
    %dma_wait3A_38 = tpu.memref_slice %arg7[%dma_wait3A_37] : memref<6256xi32, #tpu.memory_space<vmem>> -> memref<3120xi32, #tpu.memory_space<vmem>>
    %dma_wait3A_39 = tpu.memref_slice %arg3[%add3A_5] : memref<100000xi32, #tpu.memory_space<hbm>> -> memref<3120xi32, #tpu.memory_space<hbm>>
    tpu.wait_dma2 semaphore(%arg12 : memref<!tpu.dma_semaphore, #tpu.memory_space<semaphore_mem>>) src(%dma_wait3A_39 : memref<3120xi32, #tpu.memory_space<hbm>>) dst(%dma_wait3A_38 : memref<3120xi32, #tpu.memory_space<vmem>>)
    %dma_wait3A_40 = arith.constant 0 : i32
    %dma_wait3A_41 = tpu.memref_slice %arg8[%dma_wait3A_40] : memref<6256xf32, #tpu.memory_space<vmem>> -> memref<3120xf32, #tpu.memory_space<vmem>>
    %dma_wait3A_42 = tpu.memref_slice %arg2[%add3A_12] : memref<100000xf32, #tpu.memory_space<hbm>> -> memref<3120xf32, #tpu.memory_space<hbm>>
    %dma_wait3A_43 = arith.constant 0 : i32
    %dma_wait3A_44 = tpu.memref_slice %arg8[%dma_wait3A_43] : memref<6256xf32, #tpu.memory_space<vmem>> -> memref<3120xf32, #tpu.memory_space<vmem>>
    %dma_wait3A_45 = tpu.memref_slice %arg2[%add3A_12] : memref<100000xf32, #tpu.memory_space<hbm>> -> memref<3120xf32, #tpu.memory_space<hbm>>
    tpu.wait_dma2 semaphore(%arg13 : memref<!tpu.dma_semaphore, #tpu.memory_space<semaphore_mem>>) src(%dma_wait3A_45 : memref<3120xf32, #tpu.memory_space<hbm>>) dst(%dma_wait3A_44 : memref<3120xf32, #tpu.memory_space<vmem>>)
    %scan3A = arith.constant 0 : i32
    %scan3A_46 = arith.constant 97 : i32
    %scan3A_47 = arith.addi %scan3A, %scan3A_46 : i32
    %scan3A_48 = arith.constant 1 : i32
    scf.for %scan3A_110 = %scan3A to %scan3A_47 step %scan3A_48  : i32 {
      %mul3A_111 = arith.constant 32 : i32
      %mul3A_112 = arith.muli %scan3A_110, %mul3A_111 : i32
      %add3A_113 = arith.constant 0 : i32
      %add3A_114 = arith.addi %add3A_113, %mul3A_112 : i32
      %add3A_115 = arith.constant 0 : i32
      %add3A_116 = arith.addi %add3A_114, %add3A_115 : i32
      %get3A_117 = arith.index_cast %add3A_116 : i32 to index
      %get3A_118 = tpu.vector_load %arg7[%get3A_117] {strides = array<i32>} : memref<6256xi32, #tpu.memory_space<vmem>>, vector<16xi32>,
      %get3A_119 = arith.index_cast %add3A_116 : i32 to index
      %get3A_120 = tpu.vector_load %arg8[%get3A_119] {strides = array<i32>} : memref<6256xf32, #tpu.memory_space<vmem>>, vector<16xf32>,
      %gather3A_121 = tpu.vector_load_idx %arg10[%get3A_118] : memref<100xf32, #tpu.memory_space<vmem>>[vector<16xi32>], vector<16xf32>,
      %gather3A_122 = tpu.vector_load_idx %arg11[%get3A_118] : memref<100xf32, #tpu.memory_space<vmem>>[vector<16xi32>], vector<16xf32>,
      %mul3A_123 = arith.mulf %gather3A_122, %get3A_120 : vector<16xf32>
      %add3A_124 = arith.addf %gather3A_121, %mul3A_123 : vector<16xf32>
      %swap3A_125 = arith.index_cast %add3A_116 : i32 to index
      %swap3A_126 = tpu.vector_load %arg9[%swap3A_125] {strides = array<i32>} : memref<6256xf32, #tpu.memory_space<vmem>>, vector<16xf32>,
      tpu.vector_store %arg9[%swap3A_125], %add3A_124 {strides = array<i32>} : memref<6256xf32, #tpu.memory_space<vmem>>, vector<16xf32>,
      %add3A_127 = arith.constant 16 : i32
      %add3A_128 = arith.addi %add3A_114, %add3A_127 : i32
      %get3A_129 = arith.index_cast %add3A_128 : i32 to index
      %get3A_130 = tpu.vector_load %arg7[%get3A_129] {strides = array<i32>} : memref<6256xi32, #tpu.memory_space<vmem>>, vector<16xi32>,
      %get3A_131 = arith.index_cast %add3A_128 : i32 to index
      %get3A_132 = tpu.vector_load %arg8[%get3A_131] {strides = array<i32>} : memref<6256xf32, #tpu.memory_space<vmem>>, vector<16xf32>,
      %gather3A_133 = tpu.vector_load_idx %arg10[%get3A_130] : memref<100xf32, #tpu.memory_space<vmem>>[vector<16xi32>], vector<16xf32>,
      %gather3A_134 = tpu.vector_load_idx %arg11[%get3A_130] : memref<100xf32, #tpu.memory_space<vmem>>[vector<16xi32>], vector<16xf32>,
      %mul3A_135 = arith.mulf %gather3A_134, %get3A_132 : vector<16xf32>
      %add3A_136 = arith.addf %gather3A_133, %mul3A_135 : vector<16xf32>
      %swap3A_137 = arith.index_cast %add3A_128 : i32 to index
      %swap3A_138 = tpu.vector_load %arg9[%swap3A_137] {strides = array<i32>} : memref<6256xf32, #tpu.memory_space<vmem>>, vector<16xf32>,
      tpu.vector_store %arg9[%swap3A_137], %add3A_136 {strides = array<i32>} : memref<6256xf32, #tpu.memory_space<vmem>>, vector<16xf32>,
    }
    %scan3A_49 = arith.constant 97 : i32
    %scan3A_50 = arith.constant 0 : i32
    %mul3A_51 = arith.constant 16 : i32
    %mul3A_52 = arith.muli %scan3A_50, %mul3A_51 : i32
    %add3A_53 = arith.constant 3104 : i32
    %add3A_54 = arith.addi %add3A_53, %mul3A_52 : i32
    %get3A = arith.index_cast %add3A_54 : i32 to index
    %get3A_55 = tpu.vector_load %arg7[%get3A] {strides = array<i32>} : memref<6256xi32, #tpu.memory_space<vmem>>, vector<16xi32>,
    %get3A_56 = arith.index_cast %add3A_54 : i32 to index
    %get3A_57 = tpu.vector_load %arg8[%get3A_56] {strides = array<i32>} : memref<6256xf32, #tpu.memory_space<vmem>>, vector<16xf32>,
    %gather3A = tpu.vector_load_idx %arg10[%get3A_55] : memref<100xf32, #tpu.memory_space<vmem>>[vector<16xi32>], vector<16xf32>,
    %gather3A_58 = tpu.vector_load_idx %arg11[%get3A_55] : memref<100xf32, #tpu.memory_space<vmem>>[vector<16xi32>], vector<16xf32>,
    %mul3A_59 = arith.mulf %gather3A_58, %get3A_57 : vector<16xf32>
    %add3A_60 = arith.addf %gather3A, %mul3A_59 : vector<16xf32>
    %swap3A = arith.index_cast %add3A_54 : i32 to index
    %swap3A_61 = tpu.vector_load %arg9[%swap3A] {strides = array<i32>} : memref<6256xf32, #tpu.memory_space<vmem>>, vector<16xf32>,
    tpu.vector_store %arg9[%swap3A], %add3A_60 {strides = array<i32>} : memref<6256xf32, #tpu.memory_space<vmem>>, vector<16xf32>,
    %scan3A_62 = arith.constant 1 : i32
    %dma_start3A_63 = arith.constant 0 : i32
    %dma_start3A_64 = tpu.memref_slice %arg9[%dma_start3A_63] : memref<6256xf32, #tpu.memory_space<vmem>> -> memref<3120xf32, #tpu.memory_space<vmem>>
    %dma_start3A_65 = tpu.memref_slice %arg6[%select_n3A] : memref<100000xf32, #tpu.memory_space<hbm>> -> memref<3120xf32, #tpu.memory_space<hbm>>
    %dma_start3A_66 = tpu.memref_slice %arg6[%select_n3A] : memref<100000xf32, #tpu.memory_space<hbm>> -> memref<3120xf32, #tpu.memory_space<hbm>>
    %dma_start3A_67 = arith.constant 0 : i32
    %dma_start3A_68 = tpu.memref_slice %arg9[%dma_start3A_67] : memref<6256xf32, #tpu.memory_space<vmem>> -> memref<3120xf32, #tpu.memory_space<vmem>>
    tpu.enqueue_dma source(%dma_start3A_68 : memref<3120xf32, #tpu.memory_space<vmem>>) target(%dma_start3A_66 : memref<3120xf32, #tpu.memory_space<hbm>>) target_semaphore(%arg12 : memref<!tpu.dma_semaphore, #tpu.memory_space<semaphore_mem>>)
    %dma_wait3A_69 = arith.constant 3120 : i32
    %dma_wait3A_70 = tpu.memref_slice %arg7[%dma_wait3A_69] : memref<6256xi32, #tpu.memory_space<vmem>> -> memref<3136xi32, #tpu.memory_space<vmem>>
    %dma_wait3A_71 = tpu.memref_slice %arg3[%add3A_20] : memref<100000xi32, #tpu.memory_space<hbm>> -> memref<3136xi32, #tpu.memory_space<hbm>>
    %dma_wait3A_72 = arith.constant 3120 : i32
    %dma_wait3A_73 = tpu.memref_slice %arg7[%dma_wait3A_72] : memref<6256xi32, #tpu.memory_space<vmem>> -> memref<3136xi32, #tpu.memory_space<vmem>>
    %dma_wait3A_74 = tpu.memref_slice %arg3[%add3A_20] : memref<100000xi32, #tpu.memory_space<hbm>> -> memref<3136xi32, #tpu.memory_space<hbm>>
    tpu.wait_dma2 semaphore(%arg14 : memref<!tpu.dma_semaphore, #tpu.memory_space<semaphore_mem>>) src(%dma_wait3A_74 : memref<3136xi32, #tpu.memory_space<hbm>>) dst(%dma_wait3A_73 : memref<3136xi32, #tpu.memory_space<vmem>>)
    %dma_wait3A_75 = arith.constant 3120 : i32
    %dma_wait3A_76 = tpu.memref_slice %arg8[%dma_wait3A_75] : memref<6256xf32, #tpu.memory_space<vmem>> -> memref<3136xf32, #tpu.memory_space<vmem>>
    %dma_wait3A_77 = tpu.memref_slice %arg2[%add3A_28] : memref<100000xf32, #tpu.memory_space<hbm>> -> memref<3136xf32, #tpu.memory_space<hbm>>
    %dma_wait3A_78 = arith.constant 3120 : i32
    %dma_wait3A_79 = tpu.memref_slice %arg8[%dma_wait3A_78] : memref<6256xf32, #tpu.memory_space<vmem>> -> memref<3136xf32, #tpu.memory_space<vmem>>
    %dma_wait3A_80 = tpu.memref_slice %arg2[%add3A_28] : memref<100000xf32, #tpu.memory_space<hbm>> -> memref<3136xf32, #tpu.memory_space<hbm>>
    tpu.wait_dma2 semaphore(%arg15 : memref<!tpu.dma_semaphore, #tpu.memory_space<semaphore_mem>>) src(%dma_wait3A_80 : memref<3136xf32, #tpu.memory_space<hbm>>) dst(%dma_wait3A_79 : memref<3136xf32, #tpu.memory_space<vmem>>)
    %scan3A_81 = arith.constant 0 : i32
    %scan3A_82 = arith.constant 98 : i32
    %scan3A_83 = arith.addi %scan3A_81, %scan3A_82 : i32
    %scan3A_84 = arith.constant 1 : i32
    scf.for %scan3A_110 = %scan3A_81 to %scan3A_83 step %scan3A_84  : i32 {
      %mul3A_111 = arith.constant 32 : i32
      %mul3A_112 = arith.muli %scan3A_110, %mul3A_111 : i32
      %add3A_113 = arith.constant 3120 : i32
      %add3A_114 = arith.addi %add3A_113, %mul3A_112 : i32
      %add3A_115 = arith.constant 0 : i32
      %add3A_116 = arith.addi %add3A_114, %add3A_115 : i32
      %get3A_117 = arith.index_cast %add3A_116 : i32 to index
      %get3A_118 = tpu.vector_load %arg7[%get3A_117] {strides = array<i32>} : memref<6256xi32, #tpu.memory_space<vmem>>, vector<16xi32>,
      %get3A_119 = arith.index_cast %add3A_116 : i32 to index
      %get3A_120 = tpu.vector_load %arg8[%get3A_119] {strides = array<i32>} : memref<6256xf32, #tpu.memory_space<vmem>>, vector<16xf32>,
      %gather3A_121 = tpu.vector_load_idx %arg10[%get3A_118] : memref<100xf32, #tpu.memory_space<vmem>>[vector<16xi32>], vector<16xf32>,
      %gather3A_122 = tpu.vector_load_idx %arg11[%get3A_118] : memref<100xf32, #tpu.memory_space<vmem>>[vector<16xi32>], vector<16xf32>,
      %mul3A_123 = arith.mulf %gather3A_122, %get3A_120 : vector<16xf32>
      %add3A_124 = arith.addf %gather3A_121, %mul3A_123 : vector<16xf32>
      %swap3A_125 = arith.index_cast %add3A_116 : i32 to index
      %swap3A_126 = tpu.vector_load %arg9[%swap3A_125] {strides = array<i32>} : memref<6256xf32, #tpu.memory_space<vmem>>, vector<16xf32>,
      tpu.vector_store %arg9[%swap3A_125], %add3A_124 {strides = array<i32>} : memref<6256xf32, #tpu.memory_space<vmem>>, vector<16xf32>,
      %add3A_127 = arith.constant 16 : i32
      %add3A_128 = arith.addi %add3A_114, %add3A_127 : i32
      %get3A_129 = arith.index_cast %add3A_128 : i32 to index
      %get3A_130 = tpu.vector_load %arg7[%get3A_129] {strides = array<i32>} : memref<6256xi32, #tpu.memory_space<vmem>>, vector<16xi32>,
      %get3A_131 = arith.index_cast %add3A_128 : i32 to index
      %get3A_132 = tpu.vector_load %arg8[%get3A_131] {strides = array<i32>} : memref<6256xf32, #tpu.memory_space<vmem>>, vector<16xf32>,
      %gather3A_133 = tpu.vector_load_idx %arg10[%get3A_130] : memref<100xf32, #tpu.memory_space<vmem>>[vector<16xi32>], vector<16xf32>,
      %gather3A_134 = tpu.vector_load_idx %arg11[%get3A_130] : memref<100xf32, #tpu.memory_space<vmem>>[vector<16xi32>], vector<16xf32>,
      %mul3A_135 = arith.mulf %gather3A_134, %get3A_132 : vector<16xf32>
      %add3A_136 = arith.addf %gather3A_133, %mul3A_135 : vector<16xf32>
      %swap3A_137 = arith.index_cast %add3A_128 : i32 to index
      %swap3A_138 = tpu.vector_load %arg9[%swap3A_137] {strides = array<i32>} : memref<6256xf32, #tpu.memory_space<vmem>>, vector<16xf32>,
      tpu.vector_store %arg9[%swap3A_137], %add3A_136 {strides = array<i32>} : memref<6256xf32, #tpu.memory_space<vmem>>, vector<16xf32>,
    }
    %scan3A_85 = arith.constant 98 : i32
    %scan3A_86 = arith.constant 0 : i32
    %scan3A_87 = arith.constant 0 : i32
    %scan3A_88 = arith.addi %scan3A_86, %scan3A_87 : i32
    %scan3A_89 = arith.constant 0 : i32
    %add3A_90 = arith.constant 3120 : i32
    %add3A_91 = arith.addi %select_n3A, %add3A_90 : i32
    %dma_start3A_92 = arith.constant 3120 : i32
    %dma_start3A_93 = tpu.memref_slice %arg9[%dma_start3A_92] : memref<6256xf32, #tpu.memory_space<vmem>> -> memref<3136xf32, #tpu.memory_space<vmem>>
    %dma_start3A_94 = tpu.memref_slice %arg6[%add3A_91] : memref<100000xf32, #tpu.memory_space<hbm>> -> memref<3136xf32, #tpu.memory_space<hbm>>
    %dma_start3A_95 = tpu.memref_slice %arg6[%add3A_91] : memref<100000xf32, #tpu.memory_space<hbm>> -> memref<3136xf32, #tpu.memory_space<hbm>>
    %dma_start3A_96 = arith.constant 3120 : i32
    %dma_start3A_97 = tpu.memref_slice %arg9[%dma_start3A_96] : memref<6256xf32, #tpu.memory_space<vmem>> -> memref<3136xf32, #tpu.memory_space<vmem>>
    tpu.enqueue_dma source(%dma_start3A_97 : memref<3136xf32, #tpu.memory_space<vmem>>) target(%dma_start3A_95 : memref<3136xf32, #tpu.memory_space<hbm>>) target_semaphore(%arg13 : memref<!tpu.dma_semaphore, #tpu.memory_space<semaphore_mem>>)
    %dma_wait3A_98 = arith.constant 0 : i32
    %dma_wait3A_99 = tpu.memref_slice %arg9[%dma_wait3A_98] : memref<6256xf32, #tpu.memory_space<vmem>> -> memref<3120xf32, #tpu.memory_space<vmem>>
    %dma_wait3A_100 = tpu.memref_slice %arg6[%select_n3A] : memref<100000xf32, #tpu.memory_space<hbm>> -> memref<3120xf32, #tpu.memory_space<hbm>>
    %dma_wait3A_101 = tpu.memref_slice %arg6[%select_n3A] : memref<100000xf32, #tpu.memory_space<hbm>> -> memref<3120xf32, #tpu.memory_space<hbm>>
    %dma_wait3A_102 = arith.constant 0 : i32
    %dma_wait3A_103 = tpu.memref_slice %arg9[%dma_wait3A_102] : memref<6256xf32, #tpu.memory_space<vmem>> -> memref<3120xf32, #tpu.memory_space<vmem>>
    tpu.wait_dma2 semaphore(%arg12 : memref<!tpu.dma_semaphore, #tpu.memory_space<semaphore_mem>>) src(%dma_wait3A_103 : memref<3120xf32, #tpu.memory_space<vmem>>) dst(%dma_wait3A_101 : memref<3120xf32, #tpu.memory_space<hbm>>)
    %dma_wait3A_104 = arith.constant 3120 : i32
    %dma_wait3A_105 = tpu.memref_slice %arg9[%dma_wait3A_104] : memref<6256xf32, #tpu.memory_space<vmem>> -> memref<3136xf32, #tpu.memory_space<vmem>>
    %dma_wait3A_106 = tpu.memref_slice %arg6[%add3A_91] : memref<100000xf32, #tpu.memory_space<hbm>> -> memref<3136xf32, #tpu.memory_space<hbm>>
    %dma_wait3A_107 = tpu.memref_slice %arg6[%add3A_91] : memref<100000xf32, #tpu.memory_space<hbm>> -> memref<3136xf32, #tpu.memory_space<hbm>>
    %dma_wait3A_108 = arith.constant 3120 : i32
    %dma_wait3A_109 = tpu.memref_slice %arg9[%dma_wait3A_108] : memref<6256xf32, #tpu.memory_space<vmem>> -> memref<3136xf32, #tpu.memory_space<vmem>>
    tpu.wait_dma2 semaphore(%arg13 : memref<!tpu.dma_semaphore, #tpu.memory_space<semaphore_mem>>) src(%dma_wait3A_109 : memref<3136xf32, #tpu.memory_space<vmem>>) dst(%dma_wait3A_107 : memref<3136xf32, #tpu.memory_space<hbm>>)
    return
  }
}

</mosaic_0001>

<sc_bundles>
// kernel: kernel.3.cloned.1.call-start
scs
__scs_entry_jumppad:
0x0: {  	(pc) =	sbr.rel $0x88, $3  }
0x1: {  	(tag) =	ssettag $0x0;
	lr =	simm.s32 $0x1  }
0x2: {  	[smem:$0x3F9D] =	sst lr;
	_ =	strace $0xD0000000  }
0x3: {  	_ = 	snop  }
0x4: {  	_ = 	snop  }
0x5: {  	_ = 	snop  }
0x6: {  	_ = 	snop  }
0x7: {  	_ = 	snop  }
__scs_overlays_trampoline_lowered:
0x8: {  	[smem:$0x3FAC] =	sst s0  }
0x9: {  	[smem:$0x3FAD] =	sst s1  }
0xa: {  	[smem:$0x3FAE] =	sst s2  }
0xb: {  	[smem:$0x3FAF] =	sst s3  }
0xc: {  	[smem:$0x3FB0] =	sst s4  }
0xd: {  	[smem:$0x3FB1] =	sst s5  }
0xe: {  	[smem:$0x3FB2] =	sst s6  }
0xf: {  	[smem:$0x3FB3] =	sst s7  }
0x10: {  	[smem:$0x3FB4] =	sst s8  }
0x11: {  	[smem:$0x3FB5] =	sst s9;
	s0 =	simm.s32 @!p0 $0x0  }
0x12: {  	s1 =	sld [smem:$0x3F9B];
	s0 =	simm.s32 @p0 $0x1  }
0x13: {  	[smem:$0x3FB6] =	sst s0;
	s0 =	simm.s32 @!p1 $0x0  }
0x14: {  	s2 =	sld [smem:$0x3F9A];
	s0 =	simm.s32 @p1 $0x1  }
0x15: {  	[smem:$0x3FB7] =	sst s0;
	s0 =	simm.s32 @!p2 $0x0  }
0x16: {  	s3 =	sld [smem:$0x3FDB];
	s0 =	simm.s32 @p2 $0x1  }
0x17: {  	s4 =	simm.s32 $0x1BF5;
	[smem:$0x3FB9] =	sst s0  }
0x18: {  	s0 =	sld [smem:$0x3F9C];
	_ =	swait.ge [sflag:s4], $0x0  }
0x19: {  	s7 =	sld [smem:$0x3F9D]  }
0x1a: {  	s8 =	sadd.s32 $0xFFFFE003, lr  }
0x1b: {  	s9 =	sadd.s32 $0xFFFFFEF7, lr;
	s5 =	simm.s32 $0xFFFFFFFF;
	p2 =	slt.u32 s8, $0xFFFFF086  }
0x1c: {  	p1 =	slt.u32 s9, $0xF7A;
	s5 =	simm.s32 @!p2 $0x0  }
0x1d: {  	s5 =	simm.s32 @p1 $0x1;
	p0 =	seq.s32 s7, s2  }
0x1e: {  	s7 =	smul.u32 @!p0 $0xF7A, s2;
	p2 =	seq.s32 @!p0 s5, $0x0  }
0x1f: {  	s9 =	smul.u32 $0xF7A, s1;
	s8 =	simm.s32 @!p0 $0x1BF5;
	p2 =	por !p2, p0  }
0x20: {  	[sflag:s8] =	ssyncset.s32 @!p0 $0xFFFFF086;
	s6 =	sadd.s32 @!p0 s3, s7;
	s7 =	simm.s32 @!p0 $0x108  }
0x21: {  	s3 =	sadd.s32 s3, s9;
	s6 =	sadd.s32 @!p0 $0x88, s6;
	s7 =	simm.s32 @p2 $0x1082  }
0x22: {  	[simem:s7], [sflag:s8] =	dma.local @!p0 [hbm:s6], $0xF7A  }
0x23: {  	s9 =	sor.u32 $0xD0000000, s2;
	s6 =	simm.s32 $0x108;
	_ =	swait.ge @!p0 [sflag:s8], $0x0  }
0x24: {  	s3 =	sadd.s32 $0x88, s3;
	s6 =	simm.s32 @!p1 $0x1082;
	[sflag:s4] =	ssyncset.s32 $0xFFFFF086  }
0x25: {  	[simem:s6], [sflag:s4] =	dma.local [hbm:s3], $0xF7A  }
0x26: {  	[smem:$0x3F9D] =	sst s1;
	(tag) =	ssettag s2;
	_ =	strace s9  }
0x27: {  	s1 =	sld [smem:$0x3FAD]  }
0x28: {  	s2 =	sld [smem:$0x3FAE]  }
0x29: {  	s4 =	sld [smem:$0x3FB0]  }
0x2a: {  	p0 =	seq.s32 s5, $0x0;
	s5 =	sld [smem:$0x3FB1]  }
0x2b: {  	s6 =	sld [smem:$0x3FB2]  }
0x2c: {  	s7 =	sld [smem:$0x3FB3]  }
0x2d: {  	s3 =	simm.s32 $0x108;
	s8 =	sld [smem:$0x3FB4]  }
0x2e: {  	s3 =	simm.s32 @!p0 $0x1082;
	s9 =	sld [smem:$0x3FB5]  }
0x2f: {  	lr =	sadd.s32 s0, s3;
	s0 =	sld [smem:$0x3FAC]  }
0x30: {  	s3 =	sld [smem:$0x3FAF]  }
0x31: {  	[smem:$0x3FB8] =	sst s10  }
0x32: {  	s10 =	sld [smem:$0x3FB6];
	_ =	sdelay $0x3  }
0x33: {  	p0 =	seq.s32 s10, $0x1;
	s10 =	sld [smem:$0x3FB8];
	_ =	sdelay $0x3  }
0x34: {  	[smem:$0x3FB8] =	sst s10  }
0x35: {  	s10 =	sld [smem:$0x3FB7];
	_ =	sdelay $0x3  }
0x36: {  	p1 =	seq.s32 s10, $0x1;
	s10 =	sld [smem:$0x3FB8];
	_ =	sdelay $0x3  }
0x37: {  	[smem:$0x3FB8] =	sst s10  }
0x38: {  	s10 =	sld [smem:$0x3FB9]  }
0x39: {  	_ = 	snop;
	(pc) =	sbr.ind lr, $3  }
0x3a: {  	_ = 	snop  }
0x3b: {  	_ = 	snop  }
0x3c: {  	p2 =	seq.s32 s10, $0x1;
	s10 =	sld [smem:$0x3FB8]  }
0x3d: {  	_ =	shalt  }
0x3e: {  	_ =	shalt  }
0x3f: {  	_ =	shalt  }
0x40: {  	_ =	shalt  }
0x41: {  	_ =	shalt  }
0x42: {  	_ =	shalt  }
0x43: {  	_ =	shalt  }
0x44: {  	_ =	shalt  }
0x45: {  	_ =	shalt  }
0x46: {  	_ =	shalt  }
0x47: {  	_ =	shalt  }
0x48: {  	_ =	shalt  }
0x49: {  	_ =	shalt  }
0x4a: {  	_ =	shalt  }
0x4b: {  	_ =	shalt  }
0x4c: {  	_ =	shalt  }
0x4d: {  	_ =	shalt  }
0x4e: {  	_ =	shalt  }
0x4f: {  	_ =	shalt  }
0x50: {  	_ =	shalt  }
0x51: {  	_ =	shalt  }
0x52: {  	_ =	shalt  }
0x53: {  	_ =	shalt  }
0x54: {  	_ =	shalt  }
0x55: {  	_ =	shalt  }
0x56: {  	_ =	shalt  }
0x57: {  	_ =	shalt  }
0x58: {  	_ =	shalt  }
0x59: {  	_ =	shalt  }
0x5a: {  	_ =	shalt  }
0x5b: {  	_ =	shalt  }
0x5c: {  	_ =	shalt  }
0x5d: {  	_ =	shalt  }
0x5e: {  	_ =	shalt  }
0x5f: {  	_ =	shalt  }
0x60: {  	_ =	shalt  }
0x61: {  	_ =	shalt  }
0x62: {  	_ =	shalt  }
0x63: {  	_ =	shalt  }
0x64: {  	_ =	shalt  }
0x65: {  	_ =	shalt  }
0x66: {  	_ =	shalt  }
0x67: {  	_ =	shalt  }
0x68: {  	_ =	shalt  }
0x69: {  	_ =	shalt  }
0x6a: {  	_ =	shalt  }
0x6b: {  	_ =	shalt  }
0x6c: {  	_ =	shalt  }
0x6d: {  	_ =	shalt  }
0x6e: {  	_ =	shalt  }
0x6f: {  	_ =	shalt  }
0x70: {  	_ =	shalt  }
0x71: {  	_ =	shalt  }
0x72: {  	_ =	shalt  }
0x73: {  	_ =	shalt  }
0x74: {  	_ =	shalt  }
0x75: {  	_ =	shalt  }
0x76: {  	_ =	shalt  }
0x77: {  	_ =	shalt  }
0x78: {  	_ =	shalt  }
0x79: {  	_ =	shalt  }
0x7a: {  	_ =	shalt  }
0x7b: {  	_ =	shalt  }
0x7c: {  	_ =	shalt  }
0x7d: {  	_ =	shalt  }
0x7e: {  	_ =	shalt  }
0x7f: {  	_ =	shalt  }
0x80: {  	_ =	shalt  }
0x81: {  	_ =	shalt  }
0x82: {  	_ =	shalt  }
0x83: {  	_ =	shalt  }
0x84: {  	_ =	shalt  }
0x85: {  	_ =	shalt  }
0x86: {  	_ =	shalt  }
0x87: {  	_ =	shalt  }
.Lfunc_end0:
.L_simem_size_0:
called_computation_lowered:
.L_overlay_start_0:
0x88: {  	s0 =	sld [smem:$0x3FD9]  }
0x89: {  	s1 =	sld [smem:$0x3FFE];
	_ =	sdelay $0x3  }
0x8a: {  	s0 =	sadd.s32 s1, s0  }
0x8b: {  	[smem:$0x3FC4] =	sst s0  }
0x8c: {  	_ = 	snop  }
0x8d: {  	s0 =	sld [smem:$0x3FC8]  }
0x8e: {  	s16 =	sld [smem:$0x3FC7]  }
0x8f: {  	s2 =	sld [smem:$0x3FC6];
	(tm) =	ssettm $0x1  }
0x90: {  	s3 =	sld [smem:$0x3FFB];
	_ =	sdelay $0x3  }
0x91: {  	_ =	strace s3  }
0x92: {  	s3 =	sld [smem:$0x3FFC];
	_ =	sdelay $0x3  }
0x93: {  	_ =	strace s3  }
0x94: {  	s3 =	sld [smem:$0x3FFD];
	_ =	sdelay $0x3  }
0x95: {  	_ =	strace s3  }
0x96: {  	_ =	strace $0x8FFFFFFF  }
0x97: {  	s17 =	sld [smem:$0x3FDB];
	_ =	sdelay $0x1  }
0x98: {  	s4 =	simm.s32 $_scs_section_size  }
0x99: {  	s5 =	simm.s32 $_size__tile_overlayer_lowered;
	s6 =	simm.s32 $_tile_overlayer_lowered  }
0x9a: {  	s20 =	simm.s32 $0x1BFF;
	s19 =	sshll.u32 s6, $0x1;
	s3 =	sadd.s32 s4, s17  }
0x9b: {  	s7 =	simm.s32 $0x0;
	s18 =	sshll.u32 s5, $0x1;
	s5 =	sadd.s32 s19, s3  }
0x9c: {  	[timem:s7], [sflag:s20] =	dma.local [hbm:s5], s18  }
0x9d: {  	_ =	swait.ge [sflag:s20], s18  }
0x9e: {  	s4 =	ssub.s32 $0x0, s18;
	[sflag:s20] =	ssyncset.done $0x0  }
0x9f: {  	[sflag:s20] =	ssyncadd.s32 s4;
	_ =	sdelay $0x1  }
0xa0: {  	s21 =	simm.s32 $0x1B8B  }
0xa1: {  	_ =	swait.ge [sflag:s21], $0x1  }
0xa2: {  	[sflag:s21] =	ssyncset.done $0x0  }
0xa3: {  	s23 =	simm.s32 $0x1B8E;
	s22 =	sld [smem:$0x3FFE];
	[sflag:s21] =	ssyncadd.s32 $0xFFFFFFFF  }
0xa4: {  	s24 =	simm.s32 $execute0_lowered;
	[smem:$0x3FD2] =	sst s23  }
0xa5: {  	s5 =	sshll.u32 s24, $0x1;
	_ =	strace $0x80000046;
	[dreg:$0x1] =	wrdreg $0xFFFFFFFF  }
0xa6: {  	s25 =	simm.s32 $_size_execute0_lowered;
	s3 =	sadd.s32 s3, s5;
	[dreg:$0x0] =	wrdreg $0x0  }
0xa7: {  	s5 =	sshll.u32 s25, $0x1;
	[dreg:$0x2] =	wrdreg s3  }
0xa8: {  	[dreg:$0x3] =	wrdreg s5  }
0xa9: {  	[dreg:$0x4] =	wrdreg $0xC0  }
0xaa: {  	_ =	task [dreg:s7], $0x5FFFF  }
0xab: {  	[dreg:$0x1] =	wrdreg $0xFFFFFFFF  }
0xac: {  	[dreg:$0x0] =	wrdreg $0x60  }
0xad: {  	[dreg:$0x2] =	wrdreg s22  }
0xae: {  	[dreg:$0x3] =	wrdreg s0  }
0xaf: {  	[dreg:$0x4] =	wrdreg s16  }
0xb0: {  	[dreg:$0x5] =	wrdreg s2  }
0xb1: {  	[dreg:$0x6] =	wrdreg $0x9  }
0xb2: {  	_ =	task.clear_ibuf [dreg:s7], $0x7FFFF;
	_ =	strace $0x90000046  }
0xb3: {  	s26 =	simm.s32 $0x9;
	_ =	strace $0x80000048  }
0xb4: {  	_ =	swait.ge [sflag:s26], $0x1  }
0xb5: {  	[sflag:s26] =	ssyncadd.s32 $0xFFFFFFFF  }
0xb6: {  	_ =	strace $0x90000048  }
0xb7: {  	_ =	sfence  }
0xb8: {  	s28 =	sld [smem:$0x0];
	_ =	sdelay $0x1  }
0xb9: {  	s29 =	srdreg.scid  }
0xba: {  	s30 =	sshll.u32 s29, $0xD;
	s31 =	sshrl.u32 s29, $0x2  }
0xbb: {  	s1 =	sand.u32 $0x1, s29;
	s2 =	sand.u32 $0x4000, s30;
	s0 =	sadd.s32 s31, s28  }
0xbc: {  	s1 =	sor.u32 s2, s1;
	s0 =	sshll.u32 s0, $0x11  }
0xbd: {  	s0 =	sor.u32 s0, s1  }
0xbe: {  	s0 =	sadd.s32 $0x8F2B, s0  }
0xbf: {  	[sflag:s0] =	ssyncadd.remote.s32 $0x1  }
0xc0: {  	_ =	sfence.sel $0xFFFF  }
0xc1: {  	[dreg:$0x0] =	wrdreg $0xFFFFFFFF;
	(pc) =	sbr.abs _section_cstart, $3  }
0xc2: {  	[dreg:$0x1] =	wrdreg $0xFFFFFFFF  }
0xc3: {  	_ =	task.clear_ibuf [dreg:s7], $0x2FFFF;
	_ =	strace $0x9FFFFFFF  }
0xc4: {  	(tm) =	ssettm $0x7FFFFFFF  }
0xc5: {  	_ =	shalt  }
tec
execute0_lowered:
.L_overlay_start_1:
0x0: {  	(tag) =	ssettag $0x1  }
0x1: {  	s3 =	rddreg [dreg:$0x0];
	s0 =	stileid.u32  }
0x2: {  	s5 =	rddreg [dreg:$0x1];
	s2 =	smul.u32 $0x1870, s0  }
0x3: {  	s6 =	rddreg [dreg:$0x2];
	p0 =	seq.s32 s0, $0xF  }
0x4: {  	s7 =	rddreg [dreg:$0x3];
	s8 =	simm.s32 $0x0;
	s2 =	simm.s32 @p0 $0x16E30  }
0x5: {  	[smem:$0x7FF] =	sst s8;
	s4 =	sshrl.u32 s2, $0x3  }
0x6: {  	s1 =	rddreg [dreg:$0x4];
	_ =	strace $0x80000047;
	s2 =	sadd.s32 s5, s4  }
0x7: {  	[tilespmem:s8], [sflag:$0x1] =	stream.linear.gather [hbm4b:s2+s8], $0xC30, $0x38;
	[tilespmem:$0x4A80] =	vst v63  }
0x8: {  	s10 =	simm.s32 $0x1880;
	s9 =	sadd.s32 s3, s4;
	s2 =	sadd.s32 $0x186, s4  }
0x9: {  	[tilespmem:s10], [sflag:$0x2] =	stream.linear.gather [hbm4b:s9+s8], $0xC30, $0x38;
	[tilespmem:$0x4A80] =	vst v63  }
0xa: {  	s24 =	simm.s32 $0xC30;
	s5 =	sadd.s32 s5, s2  }
0xb: {  	[tilespmem:s24], [sflag:$0x3] =	stream.linear.gather [hbm4b:s5+s8], $0xC40, $0x38;
	[tilespmem:$0x4A80] =	vst v63  }
0xc: {  	s26 =	simm.s32 $0x24B0;
	s25 =	sadd.s32 s3, s2  }
0xd: {  	[tilespmem:s26], [sflag:$0x4] =	stream.linear.gather [hbm4b:s25+s8], $0xC40, $0x38;
	[tilespmem:$0x4A80] =	vst v63  }
0xe: {  	s5 =	simm.s32 $0x4980  }
0xf: {  	[tilespmem:s5], [sflag:$0x5] =	stream.linear.gather [hbm4b:s6+s8], $0x80, $0x38;
	[tilespmem:$0x4A80] =	vst v63  }
0x10: {  	s28 =	simm.s32 $0x5;
	s6 =	simm.s32 $0x4A00  }
0x11: {  	[tilespmem:s6], [sflag:$0x6] =	stream.linear.gather [hbm4b:s7+s8], $0x80, $0x38;
	[tilespmem:$0x4A80] =	vst v63  }
0x12: {  	_ =	swait.ge [sflag:s28], $0x80  }
0x13: {  	[sflag:s28] =	ssyncset.done $0x0  }
0x14: {  	s29 =	simm.s32 $0x6;
	[sflag:s28] =	ssyncadd.s32 $0xFFFFFF80  }
0x15: {  	_ =	swait.ge [sflag:s29], $0x80  }
0x16: {  	[sflag:s29] =	ssyncset.done $0x0  }
0x17: {  	s30 =	simm.s32 $0x1;
	[sflag:s29] =	ssyncadd.s32 $0xFFFFFF80  }
0x18: {  	_ =	swait.ge [sflag:s30], $0xC30  }
0x19: {  	[sflag:s30] =	ssyncset.done $0x0  }
0x1a: {  	s31 =	simm.s32 $0x2;
	[sflag:s30] =	ssyncadd.s32 $0xFFFFF3D0  }
0x1b: {  	_ =	swait.ge [sflag:s31], $0xC30  }
0x1c: {  	[sflag:s31] =	ssyncset.done $0x0  }
0x1d: {  	s7 =	simm.s32 $0x0;
	[sflag:s31] =	ssyncadd.s32 $0xFFFFF3D0  }
0x1e: {  	v0 =	vld [tilespmem:s7+$0x0];
	_ =	sdelay $0x6  }
0x1f: {  	v1 =	vld [tilespmem:s7+$0x1880]  }
0x20: {  	v2 =	vld.idx.msk [tilespmem:v0+s6+$0x0], $0xffff  }
0x21: {  	v3 =	vld [tilespmem:s7+$0x10]  }
0x22: {  	v0 =	vld.idx.msk [tilespmem:v0+s5+$0x0], $0xffff;
	_ =	sdelay $0x2  }
0x23: {  	v1 =	vmul.f32 v2, v1;
	_ =	sdelay $0x1  }
0x24: {  	v0 =	vadd.f32 v1, v0;
	_ =	sdelay $0x1  }
0x25: {  	[tilespmem:s7+$0x3100] =	vst v0;
	v0 =	vld [tilespmem:s7+$0x1890]  }
0x26: {  	v1 =	vld.idx.msk [tilespmem:v3+s6+$0x0], $0xffff  }
0x27: {  	s3 =	sadd.s32 $0x3200, s3;
	s9 =	simm.s32 $0x20;
	s8 =	simm.s32 $0x100;
	v2 =	vld.idx.msk [tilespmem:v3+s5+$0x0], $0xffff  }
.LBB2_1:
0x28: {  	p0 =	sne.s32 s8, $0x3000;
	v3 =	vld [tilespmem:s9+$0x0];
	_ =	sdelay $0x2  }
0x29: {  	v0 =	vmul.f32 v1, v0;
	_ =	sdelay $0x1  }
0x2a: {  	v0 =	vadd.f32 v0, v2;
	_ =	sdelay $0x1  }
0x2b: {  	v1 =	vld [tilespmem:s9+$0x1880];
	[tilespmem:s7+$0x3110] =	vst v0;
	s7 =	smov.u32 s9  }
0x2c: {  	v0 =	vld.idx.msk [tilespmem:v3+s6+$0x0], $0xffff  }
0x2d: {  	v2 =	vld.idx.msk [tilespmem:v3+s5+$0x0], $0xffff;
	_ =	sdelay $0x1  }
0x2e: {  	v3 =	vld [tilespmem:s7+$0x10];
	_ =	sdelay $0x2  }
0x2f: {  	v0 =	vmul.f32 v0, v1;
	_ =	sdelay $0x1  }
0x30: {  	v0 =	vadd.f32 v0, v2  }
.Ltmp0:
0x31: {  	(pc) =	sbr.rel @p0 .LBB2_1-.Ltmp0, $4  }
0x32: {  	[tilespmem:s7+$0x3100] =	vst v0;
	v0 =	vld [tilespmem:s7+$0x1890]  }
0x33: {  	v1 =	vld.idx.msk [tilespmem:v3+s6+$0x0], $0xffff  }
0x34: {  	v2 =	vld.idx.msk [tilespmem:v3+s5+$0x0], $0xffff  }
0x35: {  	s9 =	sshra.s32 s8, $0x2;
	s8 =	sadd.s32 $0x80, s8  }
0x36: {  	v3 =	vld [tilespmem:s9+$0x0];
	_ =	sdelay $0x2  }
0x37: {  	v0 =	vmul.f32 v1, v0;
	_ =	sdelay $0x1  }
0x38: {  	v0 =	vadd.f32 v0, v2;
	_ =	sdelay $0x1  }
0x39: {  	v1 =	vld [tilespmem:s9+$0x1880];
	[tilespmem:s7+$0x3110] =	vst v0  }
0x3a: {  	v0 =	vld.idx.msk [tilespmem:v3+s6+$0x0], $0xffff  }
0x3b: {  	v2 =	vld.idx.msk [tilespmem:v3+s5+$0x0], $0xffff  }
0x3c: {  	v3 =	vld [tilespmem:s9+$0x10];
	_ =	sdelay $0x2  }
0x3d: {  	v0 =	vmul.f32 v0, v1;
	_ =	sdelay $0x1  }
0x3e: {  	v0 =	vadd.f32 v0, v2;
	_ =	sdelay $0x1  }
0x3f: {  	[tilespmem:s9+$0x3100] =	vst v0;
	v0 =	vld [tilespmem:s9+$0x1890]  }
0x40: {  	v1 =	vld.idx.msk [tilespmem:v3+s6+$0x0], $0xffff;
	_ =	sdelay $0x1  }
0x41: {  	v2 =	vld.idx.msk [tilespmem:v3+s5+$0x0], $0xffff;
	_ =	sdelay $0x2  }
0x42: {  	v0 =	vmul.f32 v1, v0;
	_ =	sdelay $0x1  }
0x43: {  	v0 =	vadd.f32 v0, v2;
	_ =	sdelay $0x1  }
0x44: {  	[tilespmem:s9+$0x3110] =	vst v0  }
0x45: {  	v0 =	vld [tilespmem:$0xC20];
	_ =	sdelay $0x6  }
0x46: {  	s5 =	simm.s32 $0x4A00;
	v1 =	vld [tilespmem:$0x24A0]  }
0x47: {  	v2 =	vld.idx.msk [tilespmem:v0+s5+$0x0], $0xffff  }
0x48: {  	s6 =	simm.s32 $0x4980  }
0x49: {  	v0 =	vld.idx.msk [tilespmem:v0+s6+$0x0], $0xffff;
	_ =	sdelay $0x2  }
0x4a: {  	v1 =	vmul.f32 v2, v1;
	_ =	sdelay $0x1  }
0x4b: {  	v0 =	vadd.f32 v1, v0  }
0x4c: {  	s4 =	sadd.s32 s3, s4  }
0x4d: {  	s29 =	simm.s32 $0x0;
	s8 =	simm.s32 $0x3100;
	s30 =	simm.s32 $0x3;
	[tilespmem:$0x3D20] =	vst v0  }
0x4e: {  	[hbm4b:s4+s29] =	stream.linear.scatter [tilespmem:s8], [sflag:$0x1], $0xC30, $0x38;
	[tilespmem:$0x4A80] =	vst v63  }
0x4f: {  	_ =	swait.ge [sflag:s30], $0xC40  }
0x50: {  	[sflag:s30] =	ssyncset.done $0x0  }
0x51: {  	s31 =	simm.s32 $0x4;
	[sflag:s30] =	ssyncadd.s32 $0xFFFFF3C0  }
0x52: {  	_ =	swait.ge [sflag:s31], $0xC40  }
0x53: {  	[sflag:s31] =	ssyncset.done $0x0  }
0x54: {  	s4 =	simm.s32 $0x0;
	[sflag:s31] =	ssyncadd.s32 $0xFFFFF3C0  }
0x55: {  	v0 =	vld [tilespmem:s4+$0xC30];
	_ =	sdelay $0x6  }
0x56: {  	v1 =	vld [tilespmem:s4+$0x24B0]  }
0x57: {  	v2 =	vld.idx.msk [tilespmem:v0+s5+$0x0], $0xffff  }
0x58: {  	v3 =	vld [tilespmem:s4+$0xC40]  }
0x59: {  	v0 =	vld.idx.msk [tilespmem:v0+s6+$0x0], $0xffff;
	_ =	sdelay $0x2  }
0x5a: {  	v1 =	vmul.f32 v2, v1;
	_ =	sdelay $0x1  }
0x5b: {  	v0 =	vadd.f32 v1, v0;
	_ =	sdelay $0x1  }
0x5c: {  	[tilespmem:s4+$0x3D30] =	vst v0;
	v0 =	vld [tilespmem:s4+$0x24C0]  }
0x5d: {  	v2 =	vld.idx.msk [tilespmem:v3+s5+$0x0], $0xffff  }
0x5e: {  	s7 =	simm.s32 $0x100;
	s8 =	simm.s32 $0x20;
	v1 =	vld.idx.msk [tilespmem:v3+s6+$0x0], $0xffff  }
.LBB2_3:
0x5f: {  	p0 =	sne.s32 s7, $0x3080;
	v3 =	vld [tilespmem:s8+$0xC30];
	_ =	sdelay $0x2  }
0x60: {  	v0 =	vmul.f32 v2, v0;
	_ =	sdelay $0x1  }
0x61: {  	v0 =	vadd.f32 v0, v1;
	_ =	sdelay $0x1  }
0x62: {  	v1 =	vld [tilespmem:s8+$0x24B0];
	[tilespmem:s4+$0x3D40] =	vst v0;
	s4 =	smov.u32 s8  }
0x63: {  	v0 =	vld.idx.msk [tilespmem:v3+s5+$0x0], $0xffff  }
0x64: {  	v2 =	vld.idx.msk [tilespmem:v3+s6+$0x0], $0xffff;
	_ =	sdelay $0x1  }
0x65: {  	v3 =	vld [tilespmem:s4+$0xC40];
	_ =	sdelay $0x2  }
0x66: {  	v0 =	vmul.f32 v0, v1;
	_ =	sdelay $0x1  }
0x67: {  	v0 =	vadd.f32 v0, v2  }
.Ltmp1:
0x68: {  	(pc) =	sbr.rel @p0 .LBB2_3-.Ltmp1, $4  }
0x69: {  	[tilespmem:s4+$0x3D30] =	vst v0;
	v0 =	vld [tilespmem:s4+$0x24C0]  }
0x6a: {  	v2 =	vld.idx.msk [tilespmem:v3+s5+$0x0], $0xffff  }
0x6b: {  	v1 =	vld.idx.msk [tilespmem:v3+s6+$0x0], $0xffff  }
0x6c: {  	s8 =	sshra.s32 s7, $0x2;
	s7 =	sadd.s32 $0x80, s7  }
0x6d: {  	v3 =	vld [tilespmem:s8+$0xC30];
	_ =	sdelay $0x2  }
0x6e: {  	v0 =	vmul.f32 v2, v0;
	_ =	sdelay $0x1  }
0x6f: {  	v0 =	vadd.f32 v0, v1;
	_ =	sdelay $0x1  }
0x70: {  	v58 =	vld [tilespmem:s8+$0x24B0];
	[tilespmem:s4+$0x3D40] =	vst v0  }
0x71: {  	v0 =	vld.idx.msk [tilespmem:v3+s5+$0x0], $0xffff  }
0x72: {  	v60 =	vld [tilespmem:s8+$0xC40]  }
0x73: {  	v59 =	vld.idx.msk [tilespmem:v3+s6+$0x0], $0xffff;
	_ =	sdelay $0x2  }
0x74: {  	v0 =	vmul.f32 v0, v58;
	_ =	sdelay $0x1  }
0x75: {  	v0 =	vadd.f32 v0, v59;
	_ =	sdelay $0x1  }
0x76: {  	v61 =	vld [tilespmem:s8+$0x24C0];
	[tilespmem:s8+$0x3D30] =	vst v0  }
0x77: {  	v62 =	vld.idx.msk [tilespmem:v60+s5+$0x0], $0xffff;
	_ =	sdelay $0x1  }
0x78: {  	v63 =	vld.idx.msk [tilespmem:v60+s6+$0x0], $0xffff;
	_ =	sdelay $0x2  }
0x79: {  	v0 =	vmul.f32 v62, v61;
	_ =	sdelay $0x1  }
0x7a: {  	v0 =	vadd.f32 v0, v63  }
0x7b: {  	s2 =	sadd.s32 s3, s2  }
0x7c: {  	s28 =	simm.s32 $0x0;
	s29 =	simm.s32 $0x3D30;
	s30 =	simm.s32 $0x1;
	[tilespmem:s8+$0x3D40] =	vst v0  }
0x7d: {  	[hbm4b:s2+s28] =	stream.linear.scatter [tilespmem:s29], [sflag:$0x2], $0xC40, $0x38;
	[tilespmem:$0x4A80] =	vst v63  }
0x7e: {  	_ =	swait.ge [sflag:s30], $0xC30  }
0x7f: {  	[sflag:s30] =	ssyncset.done $0x0  }
0x80: {  	s31 =	simm.s32 $0x2;
	[sflag:s30] =	ssyncadd.s32 $0xFFFFF3D0  }
0x81: {  	_ =	swait.ge [sflag:s31], $0xC40  }
0x82: {  	[sflag:s31] =	ssyncset.done $0x0  }
0x83: {  	[sflag:s31] =	ssyncadd.s32 $0xFFFFF3C0  }
0x84: {  	_ =	sfence.sel $0x180000  }
0x85: {  	[bflag:$0x0] =	sbarrier.arrive $0xFFFF  }
0x86: {  	p0 =	sne.s32 s0, $0x0;
	_ =	strace $0x90000047  }
0x87: {  	s0 =	sadd.s32 @!p0 $0x100000, s1;
	[bflag:$0x2] =	sbarrier.arrive $0xFFFF  }
0x88: {  	[sflag:s0] =	ssyncadd.tile.s32 @!p0 $0x1;
	_ =	shalt  }
.Lfunc_end2:
_tile_overlayer_lowered:
.L_overlay_start_2:
0x89: {  	(tag) =	ssettag $0x2  }
0x8a: {  	s0 =	rddreg [dreg:$0x0];
	s2 =	stileid.u32  }
0x8b: {  	s1 =	rddreg [dreg:$0x1];
	p0 =	sne.s32 s2, $0x0  }
0x8c: {  	s3 =	rddreg [dreg:$0x2];
	[bflag:$0x3] =	sbarrier.arrive $0xFFFF;
	s2 =	simm.s32 @!p0 $0x1C07  }
0x8d: {  	[timem:s3], [sflag:s2] =	dma.local @!p0 [hbm:s0], s1  }
0x8e: {  	s0 =	simm.s32 @!p0 $0x7  }
0x8f: {  	_ =	swait.ge @!p0 [sflag:s0], s1  }
0x90: {  	s1 =	ssub.s32 @!p0 $0x0, s1;
	[sflag:s0] =	ssyncset.done @!p0 $0x0  }
0x91: {  	[sflag:s0] =	ssyncadd.s32 @!p0 s1  }
0x92: {  	[bflag:$0x3] =	sbarrier.arrive $0xFFFF  }
0x93: {  	_ =	shalt  }

</sc_bundles>
